<compile_context>
chip_gen: v7x
topology: tpu7x:2x2x1
jax: 0.10.2.dev20260603
libtpu: 0.0.44.dev20260713+nightly
codegen_flags: <defaults>
</compile_context>

<pallas_src>
import functools

import jax
import jax.numpy as jnp
from jax import lax
from jax.experimental import pallas as pl
from jax.experimental.pallas import tpu as pltpu
from jax.experimental.pallas import tpu_sc as plsc

B = 16384
F = 26
V = 100000
D = 32
NUM_DIM = 13
FP = 28
G = FP // 4
ROWS2 = B * FP

_NW = 32

_mesh = plsc.VectorSubcoreMesh(core_axis_name="c", subcore_axis_name="s")


WQ = 25088
WC = 3584
VR = 4 * WQ


def _tc_repack_body(x0, x1, x2, x3, out_ref):
    for j, xj in enumerate((x0, x1, x2, x3)):
        out_ref[0, :, j * 32:(j + 1) * 32] = xj[0].T


def _tc_repack(tabT):
    def in_spec(j):
        return pl.BlockSpec((1, D, WC), lambda f, c, j=j: (f, 0, j * (WQ // WC) + c))

    return pl.pallas_call(
        _tc_repack_body,
        grid=(F, WQ // WC),
        in_specs=[in_spec(0), in_spec(1), in_spec(2), in_spec(3)],
        out_specs=pl.BlockSpec((1, WC, 128), lambda f, c: (f, c, 0)),
        out_shape=jax.ShapeDtypeStruct((F, WQ, 128), jnp.float32),
    )(tabT, tabT, tabT, tabT)



_CH = 1024
_PER_W = ROWS2 // _NW
_NCH = _PER_W // _CH


@functools.partial(
    pl.kernel,
    mesh=_mesh,
    out_type=jax.ShapeDtypeStruct((ROWS2, D), jnp.float32),
    scratch_types=[
        pltpu.VMEM((_CH,), jnp.int32),
        pltpu.VMEM((_CH,), jnp.int32),
        pltpu.VMEM((_CH, D), jnp.float32),
        pltpu.VMEM((_CH, D), jnp.float32),
        pltpu.SemaphoreType.DMA,
        pltpu.SemaphoreType.DMA,
        pltpu.SemaphoreType.DMA,
        pltpu.SemaphoreType.DMA,
    ],
    compiler_params=pltpu.CompilerParams(use_tc_tiling_on_sc=False,
                                         needs_layout_passes=False),
)
def _sc_gather(idx_hbm, tp_hbm, out_hbm, idx0, idx1, rows0, rows1,
               si0, si1, so0, so1):
    wid = lax.axis_index("s") * 2 + lax.axis_index("c")
    base = pl.multiple_of(wid * _PER_W, 1024)

    def chunk_body(c, carry):
        off = pl.multiple_of(base + c * _CH, 1024)
        pltpu.sync_copy(idx_hbm.at[pl.ds(off, _CH)], idx0)
        pltpu.async_copy(tp_hbm.at[idx0], rows0, si0).wait()
        pltpu.sync_copy(rows0, out_hbm.at[pl.ds(off, _CH)])
        return carry

    lax.fori_loop(0, _NCH, chunk_body, 0)




def _mlp_body(emb_ref, num_ref, w1g_ref, w1n_ref, b1_ref, w2_ref, b2_ref, out_ref):
    h = jnp.dot(num_ref[...], w1n_ref[...], preferred_element_type=jnp.float32)
    for g in range(G):
        h = h + jnp.dot(emb_ref[g], w1g_ref[g], preferred_element_type=jnp.float32)
    h = jnp.maximum(h + b1_ref[...], 0.0)
    o = jnp.dot(h, w2_ref[...], preferred_element_type=jnp.float32)
    out_ref[...] = jnp.maximum(o + b2_ref[...], 0.0)


_BB = 2048


def _mlp(emb3, num, w1g, w1n, b1, w2, b2):
    return pl.pallas_call(
        _mlp_body,
        grid=(B // _BB,),
        in_specs=[
            pl.BlockSpec((G, _BB, 128), lambda i: (0, i, 0)),
            pl.BlockSpec((_BB, NUM_DIM), lambda i: (i, 0)),
            pl.BlockSpec((G, 128, 64), lambda i: (0, 0, 0)),
            pl.BlockSpec((NUM_DIM, 64), lambda i: (0, 0)),
            pl.BlockSpec((1, 64), lambda i: (0, 0)),
            pl.BlockSpec((64, 32), lambda i: (0, 0)),
            pl.BlockSpec((1, 32), lambda i: (0, 0)),
        ],
        out_specs=pl.BlockSpec((_BB, 32), lambda i: (i, 0)),
        out_shape=jax.ShapeDtypeStruct((B, 32), jnp.float32),
    )(emb3, num, w1g, w1n, b1, w2, b2)


def kernel(cate_inputs, num_inputs, tables, W1, b1, W2, b2):
    tabT = jnp.transpose(tables, (0, 2, 1))
    tp = _tc_repack(tabT)
    tp_rows = tp.reshape(F * VR, D)

    f_ar = jnp.arange(FP, dtype=jnp.int32)
    bases = jnp.where(f_ar < F, f_ar * VR, 0)
    cate_p = jnp.pad(cate_inputs.astype(jnp.int32), ((0, 0), (0, FP - F)))
    cate_r = (cate_p % WQ) * 4 + cate_p // WQ
    idx = (cate_r + bases[None, :]).reshape(B, G, 4)
    idx = jnp.transpose(idx, (1, 0, 2)).reshape(ROWS2)

    emb = _sc_gather(idx, tp_rows)
    emb3 = emb.reshape(G, B, 128)

    w1e = W1[:F * D]
    w1g = jnp.concatenate([w1e, jnp.zeros((FP * D - F * D, 64), jnp.float32)]).reshape(G, 128, 64)
    return _mlp(emb3, num_inputs, w1g, W1[F * D:], b1.reshape(1, 64),
                W2, b2.reshape(1, 32))

# --- scband reference (transcript-rebuilt; emitter-appended) ---
"""Pipeline reference for scband-embed-nn-1683627180203 (READ-ONLY COPY).

The authoritative reference and input builder live on the scoring server;
editing this copy changes nothing except your own understanding.
"""

import jax, jax.numpy as jnp
import numpy as np

B = 16384
F = 26
V = 100000
D = 32
NUM_DIM = 13
IN_DIM = F * D + NUM_DIM  # 845


def setup_inputs(seed: int = 0) -> dict:
    key = jax.random.key(seed)
    ks = jax.random.split(key, 8)
    cate_inputs = jax.random.randint(ks[0], (B, F), 0, V, dtype=jnp.int64 if jax.config.read('jax_enable_x64') else jnp.int32)
    num_inputs = jax.random.normal(ks[1], (B, NUM_DIM), dtype=jnp.float32)
    # 26 embedding tables, all with the same (vocab, dim); stack into one [F, V, D] tensor
    tables = jax.random.normal(ks[2], (F, V, D), dtype=jnp.float32) * 0.02
    W1 = jax.random.normal(ks[3], (IN_DIM, 64), dtype=jnp.float32) * (1.0 / np.sqrt(IN_DIM))
    b1 = jnp.zeros((64,), dtype=jnp.float32)
    W2 = jax.random.normal(ks[4], (64, 32), dtype=jnp.float32) * (1.0 / np.sqrt(64))
    b2 = jnp.zeros((32,), dtype=jnp.float32)
    return {"cate_inputs": cate_inputs, "num_inputs": num_inputs, "tables": tables,
            "W1": W1, "b1": b1, "W2": W2, "b2": b2}


def reference(cate_inputs, num_inputs, tables, W1, b1, W2, b2):
    # per-field embedding lookup: emb[b, i] = tables[i, cate_inputs[b, i]]
    field_idx = jnp.arange(F)[None, :]  # [1, F]
    emb = tables[field_idx, cate_inputs]  # [B, F, D] gather
    embedding = emb.reshape(B, F * D)  # torch.cat(embeddings, 1)
    inputs = jnp.concatenate([embedding, num_inputs], axis=1)  # [B, 845]
    h = jax.nn.relu(inputs @ W1 + b1)
    out = jax.nn.relu(h @ W2 + b2)
    return out

if __name__ == "__main__":
    import jax
    _d = setup_inputs()
    print(jax.jit(kernel)(*tuple(_d.values())))

</pallas_src>

<mosaic_0001>
#map = affine_map<(d0, d1) -> (0)>
#map1 = affine_map<(d0, d1) -> (0, 0)>
module attributes {stable_mosaic.version = 14 : i64} {
  func.func @_sc_gather(%arg0: i32, %arg1: i32, %arg2: memref<458752xi32, #tpu.memory_space<hbm>>, %arg3: memref<2609152x32xf32, #tpu.memory_space<hbm>>, %arg4: memref<458752x32xf32, #tpu.memory_space<hbm>>, %arg5: memref<1024xi32, #tpu.memory_space<vmem>>, %arg6: memref<1024xi32, #tpu.memory_space<vmem>>, %arg7: memref<1024x32xf32, #tpu.memory_space<vmem>>, %arg8: memref<1024x32xf32, #tpu.memory_space<vmem>>, %arg9: memref<!tpu.dma_semaphore, #tpu.memory_space<semaphore_mem>>, %arg10: memref<!tpu.dma_semaphore, #tpu.memory_space<semaphore_mem>>, %arg11: memref<!tpu.dma_semaphore, #tpu.memory_space<semaphore_mem>>, %arg12: memref<!tpu.dma_semaphore, #tpu.memory_space<semaphore_mem>>) attributes {dimension_semantics = [#tpu.dimension_semantics<core_parallel>, #tpu.dimension_semantics<subcore_parallel>], iteration_bounds = array<i64: 2, 16>, scalar_prefetch = 0 : i64, scratch_operands = 8 : i64, tpu.core_type = #tpu.core_type<sc_vector_subcore>, window_params = [{transform_indices = #map}, {transform_indices = #map1}, {transform_indices = #map1}]} {
    %mul3A = arith.constant 2 : i32
    %mul3A_0 = arith.muli %arg1, %mul3A : i32
    %add3A = arith.addi %mul3A_0, %arg0 : i32
    %mul3A_1 = arith.constant 14336 : i32
    %mul3A_2 = arith.muli %add3A, %mul3A_1 : i32
    %multiple_of3A = tpu.assume_multiple %mul3A_2, 1024 : i32
    %scan3A = arith.constant 0 : i32
    %scan3A_3 = arith.constant 0 : i32
    %scan3A_4 = arith.constant 14 : i32
    %scan3A_5 = arith.addi %scan3A_3, %scan3A_4 : i32
    %scan3A_6 = arith.constant 1 : i32
    scf.for %scan3A_8 = %scan3A_3 to %scan3A_5 step %scan3A_6  : i32 {
      %mul3A_9 = arith.constant 1024 : i32
      %mul3A_10 = arith.muli %scan3A_8, %mul3A_9 : i32
      %add3A_11 = arith.addi %multiple_of3A, %mul3A_10 : i32
      %multiple_of3A_12 = tpu.assume_multiple %add3A_11, 1024 : i32
      "tpu.region"() ({
        %run_scoped3A = tpu.sem_alloc : memref<!tpu.dma_semaphore, #tpu.memory_space<semaphore_mem>>
        %dma_start3A_17 = tpu.memref_slice %arg2[%multiple_of3A_12] : memref<458752xi32, #tpu.memory_space<hbm>> -> memref<1024xi32, #tpu.memory_space<hbm>>
        %dma_start3A_18 = tpu.memref_slice %arg2[%multiple_of3A_12] : memref<458752xi32, #tpu.memory_space<hbm>> -> memref<1024xi32, #tpu.memory_space<hbm>>
        tpu.enqueue_dma source(%dma_start3A_18 : memref<1024xi32, #tpu.memory_space<hbm>>) target(%arg5 : memref<1024xi32, #tpu.memory_space<vmem>>) target_semaphore(%run_scoped3A : memref<!tpu.dma_semaphore, #tpu.memory_space<semaphore_mem>>)
        %dma_wait3A_19 = tpu.memref_slice %arg2[%multiple_of3A_12] : memref<458752xi32, #tpu.memory_space<hbm>> -> memref<1024xi32, #tpu.memory_space<hbm>>
        %dma_wait3A_20 = tpu.memref_slice %arg2[%multiple_of3A_12] : memref<458752xi32, #tpu.memory_space<hbm>> -> memref<1024xi32, #tpu.memory_space<hbm>>
        tpu.wait_dma2 semaphore(%run_scoped3A : memref<!tpu.dma_semaphore, #tpu.memory_space<semaphore_mem>>) src(%dma_wait3A_20 : memref<1024xi32, #tpu.memory_space<hbm>>) dst(%arg5 : memref<1024xi32, #tpu.memory_space<vmem>>)
        tpu.yield
      }) : () -> ()
      %dma_start3A = arith.constant 0 : i32
      %dma_start3A_13 = arith.constant 0 : i32
      %dma_start3A_14 = tpu.memref_slice %arg3[%dma_start3A, %dma_start3A_13] : memref<2609152x32xf32, #tpu.memory_space<hbm>> -> memref<2609152x32xf32, #tpu.memory_space<hbm>>
      tpu.enqueue_indirect_dma source(%dma_start3A_14 : memref<2609152x32xf32, #tpu.memory_space<hbm>>) target(%arg7 : memref<1024x32xf32, #tpu.memory_space<vmem>>) offsets(%arg5 : memref<1024xi32, #tpu.memory_space<vmem>>) semaphore(%arg9 : memref<!tpu.dma_semaphore, #tpu.memory_space<semaphore_mem>>)
      %dma_wait3A = arith.constant 0 : i32
      %dma_wait3A_15 = arith.constant 0 : i32
      %dma_wait3A_16 = tpu.memref_slice %arg3[%dma_wait3A, %dma_wait3A_15] : memref<2609152x32xf32, #tpu.memory_space<hbm>> -> memref<2609152x32xf32, #tpu.memory_space<hbm>>
      tpu.wait_indirect_dma semaphore(%arg9 : memref<!tpu.dma_semaphore, #tpu.memory_space<semaphore_mem>>) src(%dma_wait3A_16 : memref<2609152x32xf32, #tpu.memory_space<hbm>>) dst(%arg7 : memref<1024x32xf32, #tpu.memory_space<vmem>>)
      "tpu.region"() ({
        %run_scoped3A = tpu.sem_alloc : memref<!tpu.dma_semaphore, #tpu.memory_space<semaphore_mem>>
        %dma_start3A_17 = arith.constant 0 : i32
        %dma_start3A_18 = tpu.memref_slice %arg4[%multiple_of3A_12, %dma_start3A_17] : memref<458752x32xf32, #tpu.memory_space<hbm>> -> memref<1024x32xf32, #tpu.memory_space<hbm>>
        %dma_start3A_19 = arith.constant 0 : i32
        %dma_start3A_20 = tpu.memref_slice %arg4[%multiple_of3A_12, %dma_start3A_19] : memref<458752x32xf32, #tpu.memory_space<hbm>> -> memref<1024x32xf32, #tpu.memory_space<hbm>>
        tpu.enqueue_dma source(%arg7 : memref<1024x32xf32, #tpu.memory_space<vmem>>) target(%dma_start3A_20 : memref<1024x32xf32, #tpu.memory_space<hbm>>) target_semaphore(%run_scoped3A : memref<!tpu.dma_semaphore, #tpu.memory_space<semaphore_mem>>)
        %dma_wait3A_21 = arith.constant 0 : i32
        %dma_wait3A_22 = tpu.memref_slice %arg4[%multiple_of3A_12, %dma_wait3A_21] : memref<458752x32xf32, #tpu.memory_space<hbm>> -> memref<1024x32xf32, #tpu.memory_space<hbm>>
        %dma_wait3A_23 = arith.constant 0 : i32
        %dma_wait3A_24 = tpu.memref_slice %arg4[%multiple_of3A_12, %dma_wait3A_23] : memref<458752x32xf32, #tpu.memory_space<hbm>> -> memref<1024x32xf32, #tpu.memory_space<hbm>>
        tpu.wait_dma2 semaphore(%run_scoped3A : memref<!tpu.dma_semaphore, #tpu.memory_space<semaphore_mem>>) src(%arg7 : memref<1024x32xf32, #tpu.memory_space<vmem>>) dst(%dma_wait3A_24 : memref<1024x32xf32, #tpu.memory_space<hbm>>)
        tpu.yield
      }) : () -> ()
    }
    %scan3A_7 = arith.constant 14 : i32
    return
  }
}

module attributes {stable_mosaic.version = 14 : i64} {
  func.func @_tc_repack_body(%arg0: i32, %arg1: i32, %arg2: memref<1x32x3584xf32, #tpu.memory_space<vmem>>, %arg3: memref<1x32x3584xf32, #tpu.memory_space<vmem>>, %arg4: memref<1x32x3584xf32, #tpu.memory_space<vmem>>, %arg5: memref<1x32x3584xf32, #tpu.memory_space<vmem>>, %arg6: memref<1x3584x128xf32, #tpu.memory_space<vmem>>) attributes {dimension_semantics = [#tpu.dimension_semantics<arbitrary>, #tpu.dimension_semantics<arbitrary>], iteration_bounds = array<i64: 26, 7>, scalar_prefetch = 0 : i64, scratch_operands = 0 : i64, tpu.core_type = #tpu.core_type<tc>, window_params = [{transform_indices = @transform_0, window_bounds = array<i64: 1, 32, 3584>}, {transform_indices = @transform_1, window_bounds = array<i64: 1, 32, 3584>}, {transform_indices = @transform_2, window_bounds = array<i64: 1, 32, 3584>}, {transform_indices = @transform_3, window_bounds = array<i64: 1, 32, 3584>}, {transform_indices = @transform_4, window_bounds = array<i64: 1, 3584, 128>}]} {
    %get3A = arith.constant 0 : index
    %get3A_0 = arith.constant 0 : index
    %get3A_1 = arith.constant 0 : index
    %get3A_2 = vector.load %arg2[%get3A, %get3A_0, %get3A_1] : memref<1x32x3584xf32, #tpu.memory_space<vmem>>, vector<1x32x3584xf32>
    %get3A_3 = vector.shape_cast %get3A_2 : vector<1x32x3584xf32> to vector<32x3584xf32>
    %transpose3A = tpu.transpose %get3A_3, [1, 0] : vector<32x3584xf32> -> vector<3584x32xf32>
    %swap3A = arith.constant 0 : index
    %swap3A_4 = arith.constant 0 : index
    %swap3A_5 = arith.constant 0 : index
    %swap3A_6 = vector.load %arg6[%swap3A, %swap3A_4, %swap3A_5] : memref<1x3584x128xf32, #tpu.memory_space<vmem>>, vector<1x3584x32xf32>
    %swap3A_7 = vector.shape_cast %swap3A_6 : vector<1x3584x32xf32> to vector<3584x32xf32>
    %swap3A_8 = vector.shape_cast %transpose3A : vector<3584x32xf32> to vector<1x3584x32xf32>
    tpu.vector_store %arg6[%swap3A, %swap3A_4, %swap3A_5], %swap3A_8 {strides = array<i32>} : memref<1x3584x128xf32, #tpu.memory_space<vmem>>, vector<1x3584x32xf32>,
    %get3A_9 = arith.constant 0 : index
    %get3A_10 = arith.constant 0 : index
    %get3A_11 = arith.constant 0 : index
    %get3A_12 = vector.load %arg3[%get3A_9, %get3A_10, %get3A_11] : memref<1x32x3584xf32, #tpu.memory_space<vmem>>, vector<1x32x3584xf32>
    %get3A_13 = vector.shape_cast %get3A_12 : vector<1x32x3584xf32> to vector<32x3584xf32>
    %transpose3A_14 = tpu.transpose %get3A_13, [1, 0] : vector<32x3584xf32> -> vector<3584x32xf32>
    %swap3A_15 = arith.constant 0 : index
    %swap3A_16 = arith.constant 0 : index
    %swap3A_17 = arith.constant 32 : index
    %swap3A_18 = vector.load %arg6[%swap3A_15, %swap3A_16, %swap3A_17] : memref<1x3584x128xf32, #tpu.memory_space<vmem>>, vector<1x3584x32xf32>
    %swap3A_19 = vector.shape_cast %swap3A_18 : vector<1x3584x32xf32> to vector<3584x32xf32>
    %swap3A_20 = vector.shape_cast %transpose3A_14 : vector<3584x32xf32> to vector<1x3584x32xf32>
    tpu.vector_store %arg6[%swap3A_15, %swap3A_16, %swap3A_17], %swap3A_20 {strides = array<i32>} : memref<1x3584x128xf32, #tpu.memory_space<vmem>>, vector<1x3584x32xf32>,
    %get3A_21 = arith.constant 0 : index
    %get3A_22 = arith.constant 0 : index
    %get3A_23 = arith.constant 0 : index
    %get3A_24 = vector.load %arg4[%get3A_21, %get3A_22, %get3A_23] : memref<1x32x3584xf32, #tpu.memory_space<vmem>>, vector<1x32x3584xf32>
    %get3A_25 = vector.shape_cast %get3A_24 : vector<1x32x3584xf32> to vector<32x3584xf32>
    %transpose3A_26 = tpu.transpose %get3A_25, [1, 0] : vector<32x3584xf32> -> vector<3584x32xf32>
    %swap3A_27 = arith.constant 0 : index
    %swap3A_28 = arith.constant 0 : index
    %swap3A_29 = arith.constant 64 : index
    %swap3A_30 = vector.load %arg6[%swap3A_27, %swap3A_28, %swap3A_29] : memref<1x3584x128xf32, #tpu.memory_space<vmem>>, vector<1x3584x32xf32>
    %swap3A_31 = vector.shape_cast %swap3A_30 : vector<1x3584x32xf32> to vector<3584x32xf32>
    %swap3A_32 = vector.shape_cast %transpose3A_26 : vector<3584x32xf32> to vector<1x3584x32xf32>
    tpu.vector_store %arg6[%swap3A_27, %swap3A_28, %swap3A_29], %swap3A_32 {strides = array<i32>} : memref<1x3584x128xf32, #tpu.memory_space<vmem>>, vector<1x3584x32xf32>,
    %get3A_33 = arith.constant 0 : index
    %get3A_34 = arith.constant 0 : index
    %get3A_35 = arith.constant 0 : index
    %get3A_36 = vector.load %arg5[%get3A_33, %get3A_34, %get3A_35] : memref<1x32x3584xf32, #tpu.memory_space<vmem>>, vector<1x32x3584xf32>
    %get3A_37 = vector.shape_cast %get3A_36 : vector<1x32x3584xf32> to vector<32x3584xf32>
    %transpose3A_38 = tpu.transpose %get3A_37, [1, 0] : vector<32x3584xf32> -> vector<3584x32xf32>
    %swap3A_39 = arith.constant 0 : index
    %swap3A_40 = arith.constant 0 : index
    %swap3A_41 = arith.constant 96 : index
    %swap3A_42 = vector.load %arg6[%swap3A_39, %swap3A_40, %swap3A_41] : memref<1x3584x128xf32, #tpu.memory_space<vmem>>, vector<1x3584x32xf32>
    %swap3A_43 = vector.shape_cast %swap3A_42 : vector<1x3584x32xf32> to vector<3584x32xf32>
    %swap3A_44 = vector.shape_cast %transpose3A_38 : vector<3584x32xf32> to vector<1x3584x32xf32>
    tpu.vector_store %arg6[%swap3A_39, %swap3A_40, %swap3A_41], %swap3A_44 {strides = array<i32>} : memref<1x3584x128xf32, #tpu.memory_space<vmem>>, vector<1x3584x32xf32>,
    return
  }
  func.func @transform_0(%arg0: i32, %arg1: i32) -> (i32, i32, i32) {
    %add3A = arith.constant 0 : i32
    %add3A_0 = arith.addi %add3A, %arg1 : i32
    %c0_i32 = arith.constant 0 : i32
    %c0_i32_1 = arith.constant 0 : i32
    return %arg0, %c0_i32, %add3A_0 : i32, i32, i32
  }
  func.func @transform_1(%arg0: i32, %arg1: i32) -> (i32, i32, i32) {
    %add3A = arith.constant 7 : i32
    %add3A_0 = arith.addi %add3A, %arg1 : i32
    %c0_i32 = arith.constant 0 : i32
    %c0_i32_1 = arith.constant 0 : i32
    return %arg0, %c0_i32, %add3A_0 : i32, i32, i32
  }
  func.func @transform_2(%arg0: i32, %arg1: i32) -> (i32, i32, i32) {
    %add3A = arith.constant 14 : i32
    %add3A_0 = arith.addi %add3A, %arg1 : i32
    %c0_i32 = arith.constant 0 : i32
    %c0_i32_1 = arith.constant 0 : i32
    return %arg0, %c0_i32, %add3A_0 : i32, i32, i32
  }
  func.func @transform_3(%arg0: i32, %arg1: i32) -> (i32, i32, i32) {
    %add3A = arith.constant 21 : i32
    %add3A_0 = arith.addi %add3A, %arg1 : i32
    %c0_i32 = arith.constant 0 : i32
    %c0_i32_1 = arith.constant 0 : i32
    return %arg0, %c0_i32, %add3A_0 : i32, i32, i32
  }
  func.func @transform_4(%arg0: i32, %arg1: i32) -> (i32, i32, i32) {
    %c0_i32 = arith.constant 0 : i32
    %c0_i32_0 = arith.constant 0 : i32
    return %arg0, %arg1, %c0_i32 : i32, i32, i32
  }
}

module attributes {stable_mosaic.version = 14 : i64} {
  func.func @_mlp_body(%arg0: i32, %arg1: memref<7x2048x128xf32, #tpu.memory_space<vmem>>, %arg2: memref<2048x13xf32, #tpu.memory_space<vmem>>, %arg3: memref<7x128x64xf32, #tpu.memory_space<vmem>>, %arg4: memref<13x64xf32, #tpu.memory_space<vmem>>, %arg5: memref<1x64xf32, #tpu.memory_space<vmem>>, %arg6: memref<64x32xf32, #tpu.memory_space<vmem>>, %arg7: memref<1x32xf32, #tpu.memory_space<vmem>>, %arg8: memref<2048x32xf32, #tpu.memory_space<vmem>>) attributes {dimension_semantics = [#tpu.dimension_semantics<arbitrary>], iteration_bounds = array<i64: 8>, scalar_prefetch = 0 : i64, scratch_operands = 0 : i64, tpu.core_type = #tpu.core_type<tc>, window_params = [{transform_indices = @transform_0, window_bounds = array<i64: 7, 2048, 128>}, {transform_indices = @transform_1, window_bounds = array<i64: 2048, 13>}, {pipeline_mode = #tpu.pipeline_mode<synchronous>, transform_indices = @transform_2, window_bounds = array<i64: 7, 128, 64>}, {pipeline_mode = #tpu.pipeline_mode<synchronous>, transform_indices = @transform_3, window_bounds = array<i64: 13, 64>}, {pipeline_mode = #tpu.pipeline_mode<synchronous>, transform_indices = @transform_4, window_bounds = array<i64: 1, 64>}, {pipeline_mode = #tpu.pipeline_mode<synchronous>, transform_indices = @transform_5, window_bounds = array<i64: 64, 32>}, {pipeline_mode = #tpu.pipeline_mode<synchronous>, transform_indices = @transform_6, window_bounds = array<i64: 1, 32>}, {transform_indices = @transform_7, window_bounds = array<i64: 2048, 32>}]} {
    %get3A = arith.constant 0 : index
    %get3A_0 = arith.constant 0 : index
    %get3A_1 = vector.load %arg2[%get3A, %get3A_0] : memref<2048x13xf32, #tpu.memory_space<vmem>>, vector<2048x13xf32>
    %get3A_2 = arith.constant 0 : index
    %get3A_3 = arith.constant 0 : index
    %get3A_4 = vector.load %arg4[%get3A_2, %get3A_3] : memref<13x64xf32, #tpu.memory_space<vmem>>, vector<13x64xf32>
    %dot_general3A = arith.constant dense<0.000000e+00> : vector<2048x64xf32>
    %dot_general3A_5 = tpu.matmul %get3A_1, %get3A_4, %dot_general3A {dimension_numbers = #tpu.dot_dimension_numbers<[1], [0], [0], [1], [0, 0, 1, 1], [], []>, transpose_lhs_hint = false} : vector<2048x13xf32>, vector<13x64xf32>, vector<2048x64xf32> -> vector<2048x64xf32>
    %get3A_6 = arith.constant 0 : index
    %get3A_7 = arith.constant 0 : index
    %get3A_8 = arith.constant 0 : index
    %get3A_9 = vector.load %arg1[%get3A_6, %get3A_7, %get3A_8] : memref<7x2048x128xf32, #tpu.memory_space<vmem>>, vector<1x2048x128xf32>
    %get3A_10 = vector.shape_cast %get3A_9 : vector<1x2048x128xf32> to vector<2048x128xf32>
    %get3A_11 = arith.constant 0 : index
    %get3A_12 = arith.constant 0 : index
    %get3A_13 = arith.constant 0 : index
    %get3A_14 = vector.load %arg3[%get3A_11, %get3A_12, %get3A_13] : memref<7x128x64xf32, #tpu.memory_space<vmem>>, vector<1x128x64xf32>
    %get3A_15 = vector.shape_cast %get3A_14 : vector<1x128x64xf32> to vector<128x64xf32>
    %dot_general3A_16 = arith.constant dense<0.000000e+00> : vector<2048x64xf32>
    %dot_general3A_17 = tpu.matmul %get3A_10, %get3A_15, %dot_general3A_16 {dimension_numbers = #tpu.dot_dimension_numbers<[1], [0], [0], [1], [0, 0, 1, 1], [], []>, transpose_lhs_hint = false} : vector<2048x128xf32>, vector<128x64xf32>, vector<2048x64xf32> -> vector<2048x64xf32>
    %add3A = arith.addf %dot_general3A_5, %dot_general3A_17 : vector<2048x64xf32>
    %get3A_18 = arith.constant 1 : index
    %get3A_19 = arith.constant 0 : index
    %get3A_20 = arith.constant 0 : index
    %get3A_21 = vector.load %arg1[%get3A_18, %get3A_19, %get3A_20] : memref<7x2048x128xf32, #tpu.memory_space<vmem>>, vector<1x2048x128xf32>
    %get3A_22 = vector.shape_cast %get3A_21 : vector<1x2048x128xf32> to vector<2048x128xf32>
    %get3A_23 = arith.constant 1 : index
    %get3A_24 = arith.constant 0 : index
    %get3A_25 = arith.constant 0 : index
    %get3A_26 = vector.load %arg3[%get3A_23, %get3A_24, %get3A_25] : memref<7x128x64xf32, #tpu.memory_space<vmem>>, vector<1x128x64xf32>
    %get3A_27 = vector.shape_cast %get3A_26 : vector<1x128x64xf32> to vector<128x64xf32>
    %dot_general3A_28 = arith.constant dense<0.000000e+00> : vector<2048x64xf32>
    %dot_general3A_29 = tpu.matmul %get3A_22, %get3A_27, %dot_general3A_28 {dimension_numbers = #tpu.dot_dimension_numbers<[1], [0], [0], [1], [0, 0, 1, 1], [], []>, transpose_lhs_hint = false} : vector<2048x128xf32>, vector<128x64xf32>, vector<2048x64xf32> -> vector<2048x64xf32>
    %add3A_30 = arith.addf %add3A, %dot_general3A_29 : vector<2048x64xf32>
    %get3A_31 = arith.constant 2 : index
    %get3A_32 = arith.constant 0 : index
    %get3A_33 = arith.constant 0 : index
    %get3A_34 = vector.load %arg1[%get3A_31, %get3A_32, %get3A_33] : memref<7x2048x128xf32, #tpu.memory_space<vmem>>, vector<1x2048x128xf32>
    %get3A_35 = vector.shape_cast %get3A_34 : vector<1x2048x128xf32> to vector<2048x128xf32>
    %get3A_36 = arith.constant 2 : index
    %get3A_37 = arith.constant 0 : index
    %get3A_38 = arith.constant 0 : index
    %get3A_39 = vector.load %arg3[%get3A_36, %get3A_37, %get3A_38] : memref<7x128x64xf32, #tpu.memory_space<vmem>>, vector<1x128x64xf32>
    %get3A_40 = vector.shape_cast %get3A_39 : vector<1x128x64xf32> to vector<128x64xf32>
    %dot_general3A_41 = arith.constant dense<0.000000e+00> : vector<2048x64xf32>
    %dot_general3A_42 = tpu.matmul %get3A_35, %get3A_40, %dot_general3A_41 {dimension_numbers = #tpu.dot_dimension_numbers<[1], [0], [0], [1], [0, 0, 1, 1], [], []>, transpose_lhs_hint = false} : vector<2048x128xf32>, vector<128x64xf32>, vector<2048x64xf32> -> vector<2048x64xf32>
    %add3A_43 = arith.addf %add3A_30, %dot_general3A_42 : vector<2048x64xf32>
    %get3A_44 = arith.constant 3 : index
    %get3A_45 = arith.constant 0 : index
    %get3A_46 = arith.constant 0 : index
    %get3A_47 = vector.load %arg1[%get3A_44, %get3A_45, %get3A_46] : memref<7x2048x128xf32, #tpu.memory_space<vmem>>, vector<1x2048x128xf32>
    %get3A_48 = vector.shape_cast %get3A_47 : vector<1x2048x128xf32> to vector<2048x128xf32>
    %get3A_49 = arith.constant 3 : index
    %get3A_50 = arith.constant 0 : index
    %get3A_51 = arith.constant 0 : index
    %get3A_52 = vector.load %arg3[%get3A_49, %get3A_50, %get3A_51] : memref<7x128x64xf32, #tpu.memory_space<vmem>>, vector<1x128x64xf32>
    %get3A_53 = vector.shape_cast %get3A_52 : vector<1x128x64xf32> to vector<128x64xf32>
    %dot_general3A_54 = arith.constant dense<0.000000e+00> : vector<2048x64xf32>
    %dot_general3A_55 = tpu.matmul %get3A_48, %get3A_53, %dot_general3A_54 {dimension_numbers = #tpu.dot_dimension_numbers<[1], [0], [0], [1], [0, 0, 1, 1], [], []>, transpose_lhs_hint = false} : vector<2048x128xf32>, vector<128x64xf32>, vector<2048x64xf32> -> vector<2048x64xf32>
    %add3A_56 = arith.addf %add3A_43, %dot_general3A_55 : vector<2048x64xf32>
    %get3A_57 = arith.constant 4 : index
    %get3A_58 = arith.constant 0 : index
    %get3A_59 = arith.constant 0 : index
    %get3A_60 = vector.load %arg1[%get3A_57, %get3A_58, %get3A_59] : memref<7x2048x128xf32, #tpu.memory_space<vmem>>, vector<1x2048x128xf32>
    %get3A_61 = vector.shape_cast %get3A_60 : vector<1x2048x128xf32> to vector<2048x128xf32>
    %get3A_62 = arith.constant 4 : index
    %get3A_63 = arith.constant 0 : index
    %get3A_64 = arith.constant 0 : index
    %get3A_65 = vector.load %arg3[%get3A_62, %get3A_63, %get3A_64] : memref<7x128x64xf32, #tpu.memory_space<vmem>>, vector<1x128x64xf32>
    %get3A_66 = vector.shape_cast %get3A_65 : vector<1x128x64xf32> to vector<128x64xf32>
    %dot_general3A_67 = arith.constant dense<0.000000e+00> : vector<2048x64xf32>
    %dot_general3A_68 = tpu.matmul %get3A_61, %get3A_66, %dot_general3A_67 {dimension_numbers = #tpu.dot_dimension_numbers<[1], [0], [0], [1], [0, 0, 1, 1], [], []>, transpose_lhs_hint = false} : vector<2048x128xf32>, vector<128x64xf32>, vector<2048x64xf32> -> vector<2048x64xf32>
    %add3A_69 = arith.addf %add3A_56, %dot_general3A_68 : vector<2048x64xf32>
    %get3A_70 = arith.constant 5 : index
    %get3A_71 = arith.constant 0 : index
    %get3A_72 = arith.constant 0 : index
    %get3A_73 = vector.load %arg1[%get3A_70, %get3A_71, %get3A_72] : memref<7x2048x128xf32, #tpu.memory_space<vmem>>, vector<1x2048x128xf32>
    %get3A_74 = vector.shape_cast %get3A_73 : vector<1x2048x128xf32> to vector<2048x128xf32>
    %get3A_75 = arith.constant 5 : index
    %get3A_76 = arith.constant 0 : index
    %get3A_77 = arith.constant 0 : index
    %get3A_78 = vector.load %arg3[%get3A_75, %get3A_76, %get3A_77] : memref<7x128x64xf32, #tpu.memory_space<vmem>>, vector<1x128x64xf32>
    %get3A_79 = vector.shape_cast %get3A_78 : vector<1x128x64xf32> to vector<128x64xf32>
    %dot_general3A_80 = arith.constant dense<0.000000e+00> : vector<2048x64xf32>
    %dot_general3A_81 = tpu.matmul %get3A_74, %get3A_79, %dot_general3A_80 {dimension_numbers = #tpu.dot_dimension_numbers<[1], [0], [0], [1], [0, 0, 1, 1], [], []>, transpose_lhs_hint = false} : vector<2048x128xf32>, vector<128x64xf32>, vector<2048x64xf32> -> vector<2048x64xf32>
    %add3A_82 = arith.addf %add3A_69, %dot_general3A_81 : vector<2048x64xf32>
    %get3A_83 = arith.constant 6 : index
    %get3A_84 = arith.constant 0 : index
    %get3A_85 = arith.constant 0 : index
    %get3A_86 = vector.load %arg1[%get3A_83, %get3A_84, %get3A_85] : memref<7x2048x128xf32, #tpu.memory_space<vmem>>, vector<1x2048x128xf32>
    %get3A_87 = vector.shape_cast %get3A_86 : vector<1x2048x128xf32> to vector<2048x128xf32>
    %get3A_88 = arith.constant 6 : index
    %get3A_89 = arith.constant 0 : index
    %get3A_90 = arith.constant 0 : index
    %get3A_91 = vector.load %arg3[%get3A_88, %get3A_89, %get3A_90] : memref<7x128x64xf32, #tpu.memory_space<vmem>>, vector<1x128x64xf32>
    %get3A_92 = vector.shape_cast %get3A_91 : vector<1x128x64xf32> to vector<128x64xf32>
    %dot_general3A_93 = arith.constant dense<0.000000e+00> : vector<2048x64xf32>
    %dot_general3A_94 = tpu.matmul %get3A_87, %get3A_92, %dot_general3A_93 {dimension_numbers = #tpu.dot_dimension_numbers<[1], [0], [0], [1], [0, 0, 1, 1], [], []>, transpose_lhs_hint = false} : vector<2048x128xf32>, vector<128x64xf32>, vector<2048x64xf32> -> vector<2048x64xf32>
    %add3A_95 = arith.addf %add3A_82, %dot_general3A_94 : vector<2048x64xf32>
    %get3A_96 = arith.constant 0 : index
    %get3A_97 = arith.constant 0 : index
    %get3A_98 = vector.load %arg5[%get3A_96, %get3A_97] : memref<1x64xf32, #tpu.memory_space<vmem>>, vector<1x64xf32>
    %add3A_99 = vector.broadcast %get3A_98 : vector<1x64xf32> to vector<2048x64xf32>
    %add3A_100 = arith.addf %add3A_95, %add3A_99 : vector<2048x64xf32>
    %max3A = arith.constant 0.000000e+00 : f32
    %max3A_101 = vector.broadcast %max3A : f32 to vector<2048x64xf32>
    %max3A_102 = arith.maximumf %add3A_100, %max3A_101 : vector<2048x64xf32>
    %get3A_103 = arith.constant 0 : index
    %get3A_104 = arith.constant 0 : index
    %get3A_105 = vector.load %arg6[%get3A_103, %get3A_104] : memref<64x32xf32, #tpu.memory_space<vmem>>, vector<64x32xf32>
    %dot_general3A_106 = arith.constant dense<0.000000e+00> : vector<2048x32xf32>
    %dot_general3A_107 = tpu.matmul %max3A_102, %get3A_105, %dot_general3A_106 {dimension_numbers = #tpu.dot_dimension_numbers<[1], [0], [0], [1], [0, 0, 1, 1], [], []>, transpose_lhs_hint = false} : vector<2048x64xf32>, vector<64x32xf32>, vector<2048x32xf32> -> vector<2048x32xf32>
    %get3A_108 = arith.constant 0 : index
    %get3A_109 = arith.constant 0 : index
    %get3A_110 = vector.load %arg7[%get3A_108, %get3A_109] : memref<1x32xf32, #tpu.memory_space<vmem>>, vector<1x32xf32>
    %add3A_111 = vector.broadcast %get3A_110 : vector<1x32xf32> to vector<2048x32xf32>
    %add3A_112 = arith.addf %dot_general3A_107, %add3A_111 : vector<2048x32xf32>
    %max3A_113 = arith.constant 0.000000e+00 : f32
    %max3A_114 = vector.broadcast %max3A_113 : f32 to vector<2048x32xf32>
    %max3A_115 = arith.maximumf %add3A_112, %max3A_114 : vector<2048x32xf32>
    %swap3A = arith.constant 0 : index
    %swap3A_116 = arith.constant 0 : index
    %swap3A_117 = vector.load %arg8[%swap3A, %swap3A_116] : memref<2048x32xf32, #tpu.memory_space<vmem>>, vector<2048x32xf32>
    tpu.vector_store %arg8[%swap3A, %swap3A_116], %max3A_115 {strides = array<i32>} : memref<2048x32xf32, #tpu.memory_space<vmem>>, vector<2048x32xf32>,
    return
  }
  func.func @transform_0(%arg0: i32) -> (i32, i32, i32) {
    %c0_i32 = arith.constant 0 : i32
    %c0_i32_0 = arith.constant 0 : i32
    %c0_i32_1 = arith.constant 0 : i32
    return %c0_i32, %arg0, %c0_i32_0 : i32, i32, i32
  }
  func.func @transform_1(%arg0: i32) -> (i32, i32) {
    %c0_i32 = arith.constant 0 : i32
    %c0_i32_0 = arith.constant 0 : i32
    return %arg0, %c0_i32 : i32, i32
  }
  func.func @transform_2(%arg0: i32) -> (i32, i32, i32) {
    %c0_i32 = arith.constant 0 : i32
    %c0_i32_0 = arith.constant 0 : i32
    %c0_i32_1 = arith.constant 0 : i32
    %c0_i32_2 = arith.constant 0 : i32
    return %c0_i32, %c0_i32_0, %c0_i32_1 : i32, i32, i32
  }
  func.func @transform_3(%arg0: i32) -> (i32, i32) {
    %c0_i32 = arith.constant 0 : i32
    %c0_i32_0 = arith.constant 0 : i32
    %c0_i32_1 = arith.constant 0 : i32
    return %c0_i32, %c0_i32_0 : i32, i32
  }
  func.func @transform_4(%arg0: i32) -> (i32, i32) {
    %c0_i32 = arith.constant 0 : i32
    %c0_i32_0 = arith.constant 0 : i32
    %c0_i32_1 = arith.constant 0 : i32
    return %c0_i32, %c0_i32_0 : i32, i32
  }
  func.func @transform_5(%arg0: i32) -> (i32, i32) {
    %c0_i32 = arith.constant 0 : i32
    %c0_i32_0 = arith.constant 0 : i32
    %c0_i32_1 = arith.constant 0 : i32
    return %c0_i32, %c0_i32_0 : i32, i32
  }
  func.func @transform_6(%arg0: i32) -> (i32, i32) {
    %c0_i32 = arith.constant 0 : i32
    %c0_i32_0 = arith.constant 0 : i32
    %c0_i32_1 = arith.constant 0 : i32
    return %c0_i32, %c0_i32_0 : i32, i32
  }
  func.func @transform_7(%arg0: i32) -> (i32, i32) {
    %c0_i32 = arith.constant 0 : i32
    %c0_i32_0 = arith.constant 0 : i32
    return %arg0, %c0_i32 : i32, i32
  }
}

</mosaic_0001>

<sc_bundles>
// kernel: kernel.5.cloned.1.call-start
scs
__scs_entry_jumppad:
0x0: {  	(pc) =	sbr.rel $0x88, $3  }
0x1: {  	(tag) =	ssettag $0x0;
	lr =	simm.s32 $0x1  }
0x2: {  	[smem:$0x3F9A] =	sst lr;
	_ =	strace $0xD0000000  }
0x3: {  	_ = 	snop  }
0x4: {  	_ = 	snop  }
0x5: {  	_ = 	snop  }
0x6: {  	_ = 	snop  }
0x7: {  	_ = 	snop  }
__scs_overlays_trampoline_lowered:
0x8: {  	[smem:$0x3FA9] =	sst s0  }
0x9: {  	[smem:$0x3FAA] =	sst s1  }
0xa: {  	[smem:$0x3FAB] =	sst s2  }
0xb: {  	[smem:$0x3FAC] =	sst s3  }
0xc: {  	[smem:$0x3FAD] =	sst s4  }
0xd: {  	[smem:$0x3FAE] =	sst s5  }
0xe: {  	[smem:$0x3FAF] =	sst s6  }
0xf: {  	[smem:$0x3FB0] =	sst s7  }
0x10: {  	[smem:$0x3FB1] =	sst s8  }
0x11: {  	[smem:$0x3FB2] =	sst s9;
	s0 =	simm.s32 @!p0 $0x0  }
0x12: {  	s1 =	sld [smem:$0x3F98];
	s0 =	simm.s32 @p0 $0x1  }
0x13: {  	[smem:$0x3FB3] =	sst s0;
	s0 =	simm.s32 @!p1 $0x0  }
0x14: {  	s2 =	sld [smem:$0x3F97];
	s0 =	simm.s32 @p1 $0x1  }
0x15: {  	[smem:$0x3FB4] =	sst s0;
	s0 =	simm.s32 @!p2 $0x0  }
0x16: {  	s3 =	sld [smem:$0x3FDB];
	s0 =	simm.s32 @p2 $0x1  }
0x17: {  	s4 =	simm.s32 $0x1BF5;
	[smem:$0x3FB6] =	sst s0  }
0x18: {  	s0 =	sld [smem:$0x3F99];
	_ =	swait.ge [sflag:s4], $0x0  }
0x19: {  	s7 =	sld [smem:$0x3F9A]  }
0x1a: {  	s8 =	sadd.s32 $0xFFFFE003, lr  }
0x1b: {  	s9 =	sadd.s32 $0xFFFFFEF7, lr;
	s5 =	simm.s32 $0xFFFFFFFF;
	p2 =	slt.u32 s8, $0xFFFFF086  }
0x1c: {  	p1 =	slt.u32 s9, $0xF7A;
	s5 =	simm.s32 @!p2 $0x0  }
0x1d: {  	s5 =	simm.s32 @p1 $0x1;
	p0 =	seq.s32 s7, s2  }
0x1e: {  	s7 =	smul.u32 @!p0 $0xF7A, s2;
	p2 =	seq.s32 @!p0 s5, $0x0  }
0x1f: {  	s9 =	smul.u32 $0xF7A, s1;
	s8 =	simm.s32 @!p0 $0x1BF5;
	p2 =	por !p2, p0  }
0x20: {  	[sflag:s8] =	ssyncset.s32 @!p0 $0xFFFFF086;
	s6 =	sadd.s32 @!p0 s3, s7;
	s7 =	simm.s32 @!p0 $0x108  }
0x21: {  	s3 =	sadd.s32 s3, s9;
	s6 =	sadd.s32 @!p0 $0x88, s6;
	s7 =	simm.s32 @p2 $0x1082  }
0x22: {  	[simem:s7], [sflag:s8] =	dma.local @!p0 [hbm:s6], $0xF7A  }
0x23: {  	s9 =	sor.u32 $0xD0000000, s2;
	s6 =	simm.s32 $0x108;
	_ =	swait.ge @!p0 [sflag:s8], $0x0  }
0x24: {  	s3 =	sadd.s32 $0x88, s3;
	s6 =	simm.s32 @!p1 $0x1082;
	[sflag:s4] =	ssyncset.s32 $0xFFFFF086  }
0x25: {  	[simem:s6], [sflag:s4] =	dma.local [hbm:s3], $0xF7A  }
0x26: {  	[smem:$0x3F9A] =	sst s1;
	(tag) =	ssettag s2;
	_ =	strace s9  }
0x27: {  	s1 =	sld [smem:$0x3FAA]  }
0x28: {  	s2 =	sld [smem:$0x3FAB]  }
0x29: {  	s4 =	sld [smem:$0x3FAD]  }
0x2a: {  	p0 =	seq.s32 s5, $0x0;
	s5 =	sld [smem:$0x3FAE]  }
0x2b: {  	s6 =	sld [smem:$0x3FAF]  }
0x2c: {  	s7 =	sld [smem:$0x3FB0]  }
0x2d: {  	s3 =	simm.s32 $0x108;
	s8 =	sld [smem:$0x3FB1]  }
0x2e: {  	s3 =	simm.s32 @!p0 $0x1082;
	s9 =	sld [smem:$0x3FB2]  }
0x2f: {  	lr =	sadd.s32 s0, s3;
	s0 =	sld [smem:$0x3FA9]  }
0x30: {  	s3 =	sld [smem:$0x3FAC]  }
0x31: {  	[smem:$0x3FB5] =	sst s10  }
0x32: {  	s10 =	sld [smem:$0x3FB3];
	_ =	sdelay $0x3  }
0x33: {  	p0 =	seq.s32 s10, $0x1;
	s10 =	sld [smem:$0x3FB5];
	_ =	sdelay $0x3  }
0x34: {  	[smem:$0x3FB5] =	sst s10  }
0x35: {  	s10 =	sld [smem:$0x3FB4];
	_ =	sdelay $0x3  }
0x36: {  	p1 =	seq.s32 s10, $0x1;
	s10 =	sld [smem:$0x3FB5];
	_ =	sdelay $0x3  }
0x37: {  	[smem:$0x3FB5] =	sst s10  }
0x38: {  	s10 =	sld [smem:$0x3FB6]  }
0x39: {  	_ = 	snop;
	(pc) =	sbr.ind lr, $3  }
0x3a: {  	_ = 	snop  }
0x3b: {  	_ = 	snop  }
0x3c: {  	p2 =	seq.s32 s10, $0x1;
	s10 =	sld [smem:$0x3FB5]  }
0x3d: {  	_ =	shalt  }
0x3e: {  	_ =	shalt  }
0x3f: {  	_ =	shalt  }
0x40: {  	_ =	shalt  }
0x41: {  	_ =	shalt  }
0x42: {  	_ =	shalt  }
0x43: {  	_ =	shalt  }
0x44: {  	_ =	shalt  }
0x45: {  	_ =	shalt  }
0x46: {  	_ =	shalt  }
0x47: {  	_ =	shalt  }
0x48: {  	_ =	shalt  }
0x49: {  	_ =	shalt  }
0x4a: {  	_ =	shalt  }
0x4b: {  	_ =	shalt  }
0x4c: {  	_ =	shalt  }
0x4d: {  	_ =	shalt  }
0x4e: {  	_ =	shalt  }
0x4f: {  	_ =	shalt  }
0x50: {  	_ =	shalt  }
0x51: {  	_ =	shalt  }
0x52: {  	_ =	shalt  }
0x53: {  	_ =	shalt  }
0x54: {  	_ =	shalt  }
0x55: {  	_ =	shalt  }
0x56: {  	_ =	shalt  }
0x57: {  	_ =	shalt  }
0x58: {  	_ =	shalt  }
0x59: {  	_ =	shalt  }
0x5a: {  	_ =	shalt  }
0x5b: {  	_ =	shalt  }
0x5c: {  	_ =	shalt  }
0x5d: {  	_ =	shalt  }
0x5e: {  	_ =	shalt  }
0x5f: {  	_ =	shalt  }
0x60: {  	_ =	shalt  }
0x61: {  	_ =	shalt  }
0x62: {  	_ =	shalt  }
0x63: {  	_ =	shalt  }
0x64: {  	_ =	shalt  }
0x65: {  	_ =	shalt  }
0x66: {  	_ =	shalt  }
0x67: {  	_ =	shalt  }
0x68: {  	_ =	shalt  }
0x69: {  	_ =	shalt  }
0x6a: {  	_ =	shalt  }
0x6b: {  	_ =	shalt  }
0x6c: {  	_ =	shalt  }
0x6d: {  	_ =	shalt  }
0x6e: {  	_ =	shalt  }
0x6f: {  	_ =	shalt  }
0x70: {  	_ =	shalt  }
0x71: {  	_ =	shalt  }
0x72: {  	_ =	shalt  }
0x73: {  	_ =	shalt  }
0x74: {  	_ =	shalt  }
0x75: {  	_ =	shalt  }
0x76: {  	_ =	shalt  }
0x77: {  	_ =	shalt  }
0x78: {  	_ =	shalt  }
0x79: {  	_ =	shalt  }
0x7a: {  	_ =	shalt  }
0x7b: {  	_ =	shalt  }
0x7c: {  	_ =	shalt  }
0x7d: {  	_ =	shalt  }
0x7e: {  	_ =	shalt  }
0x7f: {  	_ =	shalt  }
0x80: {  	_ =	shalt  }
0x81: {  	_ =	shalt  }
0x82: {  	_ =	shalt  }
0x83: {  	_ =	shalt  }
0x84: {  	_ =	shalt  }
0x85: {  	_ =	shalt  }
0x86: {  	_ =	shalt  }
0x87: {  	_ =	shalt  }
.Lfunc_end0:
.L_simem_size_0:
called_computation_lowered:
.L_overlay_start_0:
0x88: {  	s2 =	sld [smem:$0x3FD9]  }
0x89: {  	s3 =	sld [smem:$0x3FFE];
	_ =	sdelay $0x1  }
0x8a: {  	s1 =	srdreg.scid  }
0x8b: {  	s0 =	sand.u32 $0x1, s1  }
0x8c: {  	s17 =	sshll.u32 s0, $0xA;
	s2 =	sadd.s32 s3, s2  }
0x8d: {  	s2 =	sadd.s32 s2, s17  }
0x8e: {  	[smem:$0x3FC1] =	sst s2  }
0x8f: {  	_ = 	snop  }
0x90: {  	s2 =	sld [smem:$0x3FD0];
	(tm) =	ssettm $0x1  }
0x91: {  	s18 =	sld [smem:$0x3FFB];
	_ =	sdelay $0x3  }
0x92: {  	_ =	strace s18  }
0x93: {  	s3 =	sld [smem:$0x3FFC];
	_ =	sdelay $0x3  }
0x94: {  	_ =	strace s3  }
0x95: {  	s3 =	sld [smem:$0x3FFD];
	_ =	sdelay $0x3  }
0x96: {  	_ =	strace s3  }
0x97: {  	_ =	strace $0x8FFFFFFF  }
0x98: {  	s19 =	sld [smem:$0x3FDB];
	_ =	sdelay $0x1  }
0x99: {  	s4 =	simm.s32 $_scs_section_size  }
0x9a: {  	s5 =	simm.s32 $_size__tile_overlayer_lowered;
	s6 =	simm.s32 $_tile_overlayer_lowered  }
0x9b: {  	s22 =	simm.s32 $0x1BFF;
	s21 =	sshll.u32 s6, $0x1;
	s3 =	sadd.s32 s4, s19  }
0x9c: {  	s7 =	simm.s32 $0x0;
	s20 =	sshll.u32 s5, $0x1;
	s5 =	sadd.s32 s21, s3  }
0x9d: {  	[timem:s7], [sflag:s22] =	dma.local [hbm:s5], s20  }
0x9e: {  	_ =	swait.ge [sflag:s22], s20  }
0x9f: {  	s4 =	ssub.s32 $0x0, s20;
	[sflag:s22] =	ssyncset.done $0x0  }
0xa0: {  	[sflag:s22] =	ssyncadd.s32 s4;
	_ =	sdelay $0x1  }
0xa1: {  	s23 =	simm.s32 $0x1B8B  }
0xa2: {  	_ =	swait.ge [sflag:s23], $0x1  }
0xa3: {  	[sflag:s23] =	ssyncset.done $0x0  }
0xa4: {  	s25 =	simm.s32 $0x1B8E;
	s24 =	sld [smem:$0x3FFE];
	[sflag:s23] =	ssyncadd.s32 $0xFFFFFFFF  }
0xa5: {  	s26 =	simm.s32 $execute0_lowered;
	[smem:$0x3FD2] =	sst s25  }
0xa6: {  	s5 =	sshll.u32 s26, $0x1;
	_ =	strace $0x80000046;
	[dreg:$0x1] =	wrdreg $0xFFFFFFFF  }
0xa7: {  	s28 =	simm.s32 $_size_execute0_lowered;
	s3 =	sadd.s32 s3, s5;
	[dreg:$0x0] =	wrdreg $0x0  }
0xa8: {  	s5 =	sshll.u32 s28, $0x1;
	[dreg:$0x2] =	wrdreg s3  }
0xa9: {  	[dreg:$0x3] =	wrdreg s5  }
0xaa: {  	[dreg:$0x4] =	wrdreg $0xC0  }
0xab: {  	_ =	task [dreg:s7], $0x5FFFF  }
0xac: {  	[dreg:$0x1] =	wrdreg $0xFFFFFFFF  }
0xad: {  	[dreg:$0x0] =	wrdreg $0x60  }
0xae: {  	[dreg:$0x2] =	wrdreg s2  }
0xaf: {  	[dreg:$0x3] =	wrdreg s24  }
0xb0: {  	[dreg:$0x4] =	wrdreg $0x9  }
0xb1: {  	_ =	task.clear_ibuf [dreg:s7], $0x5FFFF;
	_ =	strace $0x90000046  }
0xb2: {  	s29 =	simm.s32 $0x9;
	_ =	strace $0x80000048  }
0xb3: {  	_ =	swait.ge [sflag:s29], $0x1  }
0xb4: {  	[sflag:s29] =	ssyncadd.s32 $0xFFFFFFFF  }
0xb5: {  	_ =	strace $0x90000048  }
0xb6: {  	_ =	sfence  }
0xb7: {  	s30 =	sld [smem:$0x0];
	_ =	sdelay $0x2  }
0xb8: {  	s31 =	sshll.u32 s1, $0xD;
	s1 =	sshrl.u32 s1, $0x2  }
0xb9: {  	s3 =	sand.u32 $0x4000, s31;
	s1 =	sadd.s32 s1, s30  }
0xba: {  	s0 =	sor.u32 s3, s0;
	s1 =	sshll.u32 s1, $0x11  }
0xbb: {  	s0 =	sor.u32 s1, s0  }
0xbc: {  	s0 =	sadd.s32 $0x8F2B, s0  }
0xbd: {  	[sflag:s0] =	ssyncadd.remote.s32 $0x1  }
0xbe: {  	_ =	sfence.sel $0xFFFF  }
0xbf: {  	[dreg:$0x0] =	wrdreg $0xFFFFFFFF;
	(pc) =	sbr.abs _section_cstart, $3  }
0xc0: {  	[dreg:$0x1] =	wrdreg $0xFFFFFFFF  }
0xc1: {  	_ =	task.clear_ibuf [dreg:s7], $0x2FFFF;
	_ =	strace $0x9FFFFFFF  }
0xc2: {  	(tm) =	ssettm $0x7FFFFFFF  }
0xc3: {  	_ =	shalt  }
tec
execute0_lowered:
.L_overlay_start_1:
0x0: {  	(tag) =	ssettag $0x1  }
0x1: {  	s6 =	rddreg [dreg:$0x0]  }
0x2: {  	s3 =	rddreg [dreg:$0x1]  }
0x3: {  	s0 =	rddreg [dreg:$0x2];
	s1 =	stileid.u32  }
0x4: {  	s2 =	simm.s32 $0x0;
	s5 =	srdreg.scid;
	s4 =	smul.u32 $0x1C000, s1  }
0x5: {  	[smem:$0x7FF] =	sst s2;
	s5 =	sand.u32 $0x1, s5;
	s7 =	smul.u32 $0x7000, s1  }
0x6: {  	_ =	strace $0x80000047;
	s8 =	ssub.s32 $0x2, s5;
	s9 =	smul.u32 $0x3800, s5  }
0x7: {  	s5 =	smul.u32 $0xE000, s5;
	s10 =	sadd.s32 s4, s3;
	s31 =	sshrl.u32 s8, $0x1  }
0x8: {  	s3 =	sadd.s32 $0x1200, s3;
	s4 =	ssub.s32 s8, s31;
	s7 =	sadd.s32 s9, s7  }
0x9: {  	s5 =	sadd.s32 s5, s10;
	s8 =	simm.s32 $0x400;
	s9 =	simm.s32 $0x1  }
0xa: {  	s10 =	simm.s32 $0x0;
	s4 =	smax.u32 s4, $0x1;
	s7 =	sshrl.u32 s7, $0x3  }
0xb: {  	s5 =	sadd.s32 $0x9F5200, s5;
	s6 =	sadd.s32 s7, s6;
	s7 =	simm.s32 $0x2  }
.LBB2_1:
0xc: {  	s11 =	sadd.s32 $0x0, s6  }
0xd: {  	[tilespmem:s2], [sflag:$0x2] =	stream.linear.gather [hbm4b:s11+s2], $0x400, $0x38;
	[tilespmem:$0x8400] =	vst v63  }
0xe: {  	_ =	swait.ge [sflag:s7], $0x400  }
0xf: {  	[sflag:s7] =	ssyncset.done $0x0  }
0x10: {  	[sflag:s7] =	ssyncadd.s32 $0xFFFFFC00  }
0x11: {  	[tilespmem:s8], [sflag:$0x1] =	stream.indirect.gather [hbm4b:s3+s8], $0x20, s2, s8, $0xb8;
	[tilespmem:$0x8400] =	vst v63  }
0x12: {  	_ =	swait.ge [sflag:s9], $0x8000  }
0x13: {  	[sflag:s9] =	ssyncset.done $0x0  }
0x14: {  	[sflag:s9] =	ssyncadd.s32 $0xFFFF8000  }
0x15: {  	[hbm4b:s5+s2] =	stream.linear.scatter [tilespmem:s8], [sflag:$0x2], $0x8000, $0x38;
	[tilespmem:$0x8400] =	vst v63  }
0x16: {  	s12 =	simm.s32 $0x80;
	_ =	swait.ge [sflag:s7], $0x8000  }
0x17: {  	s13 =	simm.s32 $0x100;
	s11 =	sadd.s32 $0x1000, s5;
	[sflag:s7] =	ssyncset.done $0x0  }
.LBB2_2:
0x18: {  	s14 =	sadd.s32 s12, s6  }
0x19: {  	[sflag:s7] =	ssyncadd.s32 $0xFFFF8000;
	s12 =	smov.u32 s13;
	s15 =	sadd.s32 $0x80, s13  }
0x1a: {  	[tilespmem:s2], [sflag:$0x2] =	stream.linear.gather [hbm4b:s14+s2], $0x400, $0x38;
	[tilespmem:$0x8400] =	vst v63  }
0x1b: {  	p0 =	sne.s32 s13, $0x680;
	_ =	swait.ge [sflag:s7], $0x400  }
0x1c: {  	[sflag:s7] =	ssyncset.done $0x0  }
0x1d: {  	[sflag:s7] =	ssyncadd.s32 $0xFFFFFC00  }
0x1e: {  	[tilespmem:s8], [sflag:$0x1] =	stream.indirect.gather [hbm4b:s3+s8], $0x20, s2, s8, $0xb8;
	[tilespmem:$0x8400] =	vst v63  }
0x1f: {  	_ =	swait.ge [sflag:s9], $0x8000  }
.Ltmp0:
0x20: {  	[sflag:s9] =	ssyncset.done $0x0;
	(pc) =	sbr.rel @p0 .LBB2_2-.Ltmp0, $4  }
0x21: {  	[sflag:s9] =	ssyncadd.s32 $0xFFFF8000  }
0x22: {  	[hbm4b:s11+s2] =	stream.linear.scatter [tilespmem:s8], [sflag:$0x2], $0x8000, $0x38;
	[tilespmem:$0x8400] =	vst v63  }
0x23: {  	_ =	swait.ge [sflag:s7], $0x8000  }
0x24: {  	s13 =	smov.u32 s15;
	s11 =	sadd.s32 $0x1000, s11;
	[sflag:s7] =	ssyncset.done $0x0  }
0x25: {  	s12 =	sadd.s32 s12, s6;
	[sflag:s7] =	ssyncadd.s32 $0xFFFF8000  }
0x26: {  	[tilespmem:s2], [sflag:$0x2] =	stream.linear.gather [hbm4b:s12+s2], $0x400, $0x38;
	[tilespmem:$0x8400] =	vst v63  }
0x27: {  	_ =	swait.ge [sflag:s7], $0x400  }
0x28: {  	[sflag:s7] =	ssyncset.done $0x0  }
0x29: {  	[sflag:s7] =	ssyncadd.s32 $0xFFFFFC00  }
0x2a: {  	[tilespmem:s8], [sflag:$0x1] =	stream.indirect.gather [hbm4b:s3+s8], $0x20, s2, s8, $0xb8;
	[tilespmem:$0x8400] =	vst v63  }
0x2b: {  	s10 =	sadd.s32 $0x1, s10;
	_ =	swait.ge [sflag:s9], $0x8000  }
0x2c: {  	p0 =	sne.s32 s10, s4;
	[sflag:s9] =	ssyncset.done $0x0  }
.Ltmp1:
0x2d: {  	[sflag:s9] =	ssyncadd.s32 $0xFFFF8000;
	(pc) =	sbr.rel @p0 .LBB2_1-.Ltmp1, $4  }
0x2e: {  	[hbm4b:s11+s2] =	stream.linear.scatter [tilespmem:s8], [sflag:$0x2], $0x8000, $0x38;
	[tilespmem:$0x8400] =	vst v63  }
0x2f: {  	_ =	swait.ge [sflag:s7], $0x8000  }
0x30: {  	[sflag:s7] =	ssyncset.done $0x0  }
0x31: {  	[sflag:s7] =	ssyncadd.s32 $0xFFFF8000  }
0x32: {  	_ =	sfence.sel $0x180000  }
0x33: {  	[bflag:$0x0] =	sbarrier.arrive $0xFFFF  }
0x34: {  	p0 =	sne.s32 s1, $0x0;
	_ =	strace $0x90000047  }
0x35: {  	s0 =	sadd.s32 @!p0 $0x100000, s0;
	[bflag:$0x2] =	sbarrier.arrive $0xFFFF  }
0x36: {  	[sflag:s0] =	ssyncadd.tile.s32 @!p0 $0x1;
	_ =	shalt  }
.Lfunc_end2:
_tile_overlayer_lowered:
.L_overlay_start_2:
0x37: {  	(tag) =	ssettag $0x2  }
0x38: {  	s0 =	rddreg [dreg:$0x0];
	s2 =	stileid.u32  }
0x39: {  	s1 =	rddreg [dreg:$0x1];
	p0 =	sne.s32 s2, $0x0  }
0x3a: {  	s3 =	rddreg [dreg:$0x2];
	[bflag:$0x3] =	sbarrier.arrive $0xFFFF;
	s2 =	simm.s32 @!p0 $0x1C02  }
0x3b: {  	[timem:s3], [sflag:s2] =	dma.local @!p0 [hbm:s0], s1  }
0x3c: {  	s0 =	simm.s32 @!p0 $0x2  }
0x3d: {  	_ =	swait.ge @!p0 [sflag:s0], s1  }
0x3e: {  	s1 =	ssub.s32 @!p0 $0x0, s1;
	[sflag:s0] =	ssyncset.done @!p0 $0x0  }
0x3f: {  	[sflag:s0] =	ssyncadd.s32 @!p0 s1  }
0x40: {  	[bflag:$0x3] =	sbarrier.arrive $0xFFFF  }
0x41: {  	_ =	shalt  }

</sc_bundles>
